<compile_context>
chip_gen: v7x
topology: tpu7x:2x2x1
jax: 0.10.2.dev20260603
libtpu: 0.0.44.dev20260713+nightly
codegen_flags: <defaults>
</compile_context>

<pallas_src>
import functools

import jax
import jax.numpy as jnp
from jax import lax
from jax.experimental import pallas as pl
from jax.experimental.pallas import tpu as pltpu
from jax.experimental.pallas import tpu_sc as plsc

ENT_NUM = 100000
DIM = 64
B = 16384
GAMMA = 12.0

_NC = 2
_NS = 16
_NW = _NC * _NS
_BPW = B // _NW
_CHUNK = 256
_NCHUNK = _BPW // _CHUNK
_CBLK = 16384


def _entcat_body(a_ref, b_ref, o_ref):
    ab = jnp.concatenate([a_ref[...], b_ref[...]], axis=0)
    o_ref[...] = ab.T


def _entcat(a, b):
    spec = pl.BlockSpec((DIM, _CBLK), lambda i: (0, i))
    return pl.pallas_call(
        _entcat_body,
        grid=(pl.cdiv(ENT_NUM, _CBLK),),
        in_specs=[spec, spec],
        out_specs=pl.BlockSpec((_CBLK, 2 * DIM), lambda i: (i, 0)),
        out_shape=jax.ShapeDtypeStruct((ENT_NUM, 2 * DIM), jnp.float32),
    )(a, b)


def _sc_gather2(table, idx0, idx1):
    mesh = plsc.VectorSubcoreMesh(core_axis_name="c", subcore_axis_name="s")
    out_t = [jax.ShapeDtypeStruct((B, 2 * DIM), jnp.float32) for _ in range(2)]

    @functools.partial(
        pl.kernel,
        mesh=mesh,
        out_type=out_t,
        scratch_types=[
            pltpu.VMEM((_BPW,), jnp.int32),
            pltpu.VMEM((_BPW,), jnp.int32),
            pltpu.VMEM((_CHUNK, 2 * DIM), jnp.float32),
            pltpu.VMEM((_CHUNK, 2 * DIM), jnp.float32),
            pltpu.SemaphoreType.DMA,
        ],
    )
    def k(t_hbm, i0_hbm, i1_hbm, o0, o1, i0_v, i1_v, b0, b1, sem):
        wid = lax.axis_index("s") * _NC + lax.axis_index("c")
        base = wid * _BPW
        pltpu.sync_copy(i0_hbm.at[pl.ds(base, _BPW)], i0_v)
        pltpu.sync_copy(i1_hbm.at[pl.ds(base, _BPW)], i1_v)

        def body(c, _):
            off = c * _CHUNK
            cp0 = pltpu.async_copy(t_hbm.at[i0_v.at[pl.ds(off, _CHUNK)]], b0, sem)
            cp1 = pltpu.async_copy(t_hbm.at[i1_v.at[pl.ds(off, _CHUNK)]], b1, sem)
            cp0.wait()
            cp1.wait()
            dst = pl.ds(base + off, _CHUNK)
            pltpu.sync_copy(b0, o0.at[dst])
            pltpu.sync_copy(b1, o1.at[dst])

        lax.fori_loop(0, _NCHUNK, body, None, unroll=False)

    return k(table, idx0, idx1)


def _sc_gather1(table, idx0, width):
    mesh = plsc.VectorSubcoreMesh(core_axis_name="c", subcore_axis_name="s")
    out_t = jax.ShapeDtypeStruct((B, width), jnp.float32)

    @functools.partial(
        pl.kernel,
        mesh=mesh,
        out_type=out_t,
        scratch_types=[
            pltpu.VMEM((_BPW,), jnp.int32),
            pltpu.VMEM((_CHUNK, width), jnp.float32),
            pltpu.SemaphoreType.DMA,
        ],
    )
    def k(t_hbm, i0_hbm, o0, i0_v, b0, sem):
        wid = lax.axis_index("s") * _NC + lax.axis_index("c")
        base = wid * _BPW
        pltpu.sync_copy(i0_hbm.at[pl.ds(base, _BPW)], i0_v)

        def body(c, _):
            off = c * _CHUNK
            cp0 = pltpu.async_copy(t_hbm.at[i0_v.at[pl.ds(off, _CHUNK)]], b0, sem)
            cp0.wait()
            pltpu.sync_copy(b0, o0.at[pl.ds(base + off, _CHUNK)])

        lax.fori_loop(0, _NCHUNK, body, None, unroll=False)

    return k(table, idx0)


def _score_body(h_ref, t_ref, rw_ref, o_ref):
    blk = h_ref.shape[0]
    hh = h_ref[...]
    tt = t_ref[...]
    rw = rw_ref[...]
    lane = lax.broadcasted_iota(jnp.int32, (blk, 2 * DIM), 1)
    re_half = lane < DIM
    rw_swap = pltpu.roll(rw, DIM, 1)
    w2 = jnp.where(re_half, rw_swap, rw)
    cs = jnp.where(re_half, jnp.cos(rw),
                   pltpu.roll(jnp.sin(rw), DIM, 1))

    row = lax.broadcasted_iota(jnp.int32, (2 * DIM, 2 * DIM), 0)
    col = lax.broadcasted_iota(jnp.int32, (2 * DIM, 2 * DIM), 1)
    m = ((row < DIM) == (col < DIM)).astype(jnp.float32)

    def mxu(x, y):
        return jax.lax.dot(x, y, preferred_element_type=jnp.float32)

    d_h = mxu(w2 * hh, m)
    d_t = mxu(w2 * tt, m)
    p = hh - d_h * w2
    pt = tt - d_t * w2

    swap_cs = pltpu.roll(cs, DIM, 1)
    cc = jnp.where(re_half, cs, swap_cs)
    ssn = jnp.where(re_half, -swap_cs, cs)
    swap_p = pltpu.roll(p, DIM, 1)
    s = p * cc + swap_p * ssn - pt
    sq = s * s
    mag = jnp.sqrt(sq + pltpu.roll(sq, DIM, 1))
    ones = jnp.ones((2 * DIM, 1), jnp.float32)
    o_ref[...] = 0.5 * mxu(mag, ones) - GAMMA


def _tc_score(h, t, rw):
    blk = 2048
    return pl.pallas_call(
        _score_body,
        grid=(B // blk,),
        in_specs=[
            pl.BlockSpec((blk, 2 * DIM), lambda i: (i, 0)),
            pl.BlockSpec((blk, 2 * DIM), lambda i: (i, 0)),
            pl.BlockSpec((blk, 2 * DIM), lambda i: (i, 0)),
        ],
        out_specs=pl.BlockSpec((blk, 1), lambda i: (i, 0)),
        out_shape=jax.ShapeDtypeStruct((B, 1), jnp.float32),
    )(h, t, rw)


def kernel(pos_sample, ent_embd, ent_embd_im, rel_embd, wr):
    h_idx = pos_sample[:, 0]
    r_idx = pos_sample[:, 1]
    t_idx = pos_sample[:, 2]
    entcat = _entcat(ent_embd.T, ent_embd_im.T)
    h, t = _sc_gather2(entcat, h_idx, t_idx)
    relcat = _entcat(rel_embd.T, wr.T)
    r = _sc_gather1(relcat, r_idx, 2 * DIM)
    return _tc_score(h, t, r)

# --- scband reference (transcript-rebuilt; emitter-appended) ---
"""Pipeline reference for scband-rotat-h-28973849379378 (READ-ONLY COPY).

The authoritative reference and input builder live on the scoring server;
editing this copy changes nothing except your own understanding.
"""

import jax, jax.numpy as jnp
import numpy as np
from math import pi

ENT_NUM = 100000
REL_NUM = 100000
DIM = 64
B = 16384
GAMMA = 12.0


def setup_inputs(seed: int = 0) -> dict:
    key = jax.random.key(seed)
    ks = jax.random.split(key, 5)
    pos_sample = jax.random.randint(ks[0], (B, 3), 0, ENT_NUM, dtype=jnp.int32)
    ent_embd = jax.random.normal(ks[1], (ENT_NUM, DIM), dtype=jnp.float32) * 0.05
    ent_embd_im = jax.random.normal(ks[2], (ENT_NUM, DIM), dtype=jnp.float32) * 0.05
    rel_embd = jax.random.uniform(ks[3], (REL_NUM, DIM), minval=-pi, maxval=pi, dtype=jnp.float32)
    wr = jax.random.normal(ks[4], (REL_NUM, DIM), dtype=jnp.float32) * 0.05
    return {"pos_sample": pos_sample, "ent_embd": ent_embd, "ent_embd_im": ent_embd_im, "rel_embd": rel_embd, "wr": wr}


def reference(pos_sample, ent_embd, ent_embd_im, rel_embd, wr):
    # positive-sample path (neg_sample=None) of RotatH.forward
    h_re = jnp.take(ent_embd, pos_sample[:, 0], axis=0)[:, None, :]
    h_im = jnp.take(ent_embd_im, pos_sample[:, 0], axis=0)[:, None, :]
    r = jnp.take(rel_embd, pos_sample[:, 1], axis=0)[:, None, :]
    t_re = jnp.take(ent_embd, pos_sample[:, 2], axis=0)[:, None, :]
    t_im = jnp.take(ent_embd_im, pos_sample[:, 2], axis=0)[:, None, :]
    w = jnp.take(wr, pos_sample[:, 1], axis=0)[:, None, :]

    rel_re = jnp.cos(r)
    rel_im = jnp.sin(r)

    def hyperplane(x, w):
        # x - (w . x) * w
        return x - (w * x).sum(axis=-1, keepdims=True) * w

    wr_h_re_wr = hyperplane(h_re, w)
    wr_h_im_wr = hyperplane(h_im, w)
    wr_t_re_wr = hyperplane(t_re, w)
    wr_t_im_wr = hyperplane(t_im, w)

    score_re = wr_h_re_wr * rel_re - wr_h_im_wr * rel_im - wr_t_re_wr
    score_im = wr_h_re_wr * rel_im + wr_h_im_wr * rel_re - wr_t_im_wr

    # torch.stack([re, im], dim=0).norm(dim=0) == elementwise complex magnitude
    score = jnp.sqrt(score_re ** 2 + score_im ** 2)
    score = score.sum(axis=-1) - GAMMA
    return score

if __name__ == "__main__":
    import jax
    _d = setup_inputs()
    print(jax.jit(kernel)(*tuple(_d.values())))

</pallas_src>

<mosaic_0001>
#map = affine_map<(d0, d1) -> (0, 0)>
#map1 = affine_map<(d0, d1) -> (0)>
module attributes {stable_mosaic.version = 14 : i64} {
  func.func @k(%arg0: i32, %arg1: i32, %arg2: memref<100000x128xf32, #tpu.memory_space<hbm>>, %arg3: memref<16384xi32, #tpu.memory_space<hbm>>, %arg4: memref<16384x128xf32, #tpu.memory_space<hbm>>, %arg5: memref<512xi32, #tpu.memory_space<vmem>>, %arg6: memref<256x128xf32, #tpu.memory_space<vmem>>, %arg7: memref<!tpu.dma_semaphore, #tpu.memory_space<semaphore_mem>>) attributes {dimension_semantics = [#tpu.dimension_semantics<core_parallel>, #tpu.dimension_semantics<subcore_parallel>], iteration_bounds = array<i64: 2, 16>, scalar_prefetch = 0 : i64, scratch_operands = 3 : i64, tpu.core_type = #tpu.core_type<sc_vector_subcore>, window_params = [{transform_indices = #map}, {transform_indices = #map1}, {transform_indices = #map}]} {
    %mul3A = arith.constant 2 : i32
    %mul3A_0 = arith.muli %arg1, %mul3A : i32
    %add3A = arith.addi %mul3A_0, %arg0 : i32
    %mul3A_1 = arith.constant 512 : i32
    %mul3A_2 = arith.muli %add3A, %mul3A_1 : i32
    "tpu.region"() ({
      %run_scoped3A = tpu.sem_alloc : memref<!tpu.dma_semaphore, #tpu.memory_space<semaphore_mem>>
      %dma_start3A = tpu.memref_slice %arg3[%mul3A_2] : memref<16384xi32, #tpu.memory_space<hbm>> -> memref<512xi32, #tpu.memory_space<hbm>>
      %dma_start3A_7 = tpu.memref_slice %arg3[%mul3A_2] : memref<16384xi32, #tpu.memory_space<hbm>> -> memref<512xi32, #tpu.memory_space<hbm>>
      tpu.enqueue_dma source(%dma_start3A_7 : memref<512xi32, #tpu.memory_space<hbm>>) target(%arg5 : memref<512xi32, #tpu.memory_space<vmem>>) target_semaphore(%run_scoped3A : memref<!tpu.dma_semaphore, #tpu.memory_space<semaphore_mem>>)
      %dma_wait3A = tpu.memref_slice %arg3[%mul3A_2] : memref<16384xi32, #tpu.memory_space<hbm>> -> memref<512xi32, #tpu.memory_space<hbm>>
      %dma_wait3A_8 = tpu.memref_slice %arg3[%mul3A_2] : memref<16384xi32, #tpu.memory_space<hbm>> -> memref<512xi32, #tpu.memory_space<hbm>>
      tpu.wait_dma2 semaphore(%run_scoped3A : memref<!tpu.dma_semaphore, #tpu.memory_space<semaphore_mem>>) src(%dma_wait3A_8 : memref<512xi32, #tpu.memory_space<hbm>>) dst(%arg5 : memref<512xi32, #tpu.memory_space<vmem>>)
      tpu.yield
    }) : () -> ()
    %scan3A = arith.constant 0 : i32
    %scan3A_3 = arith.constant 2 : i32
    %scan3A_4 = arith.addi %scan3A, %scan3A_3 : i32
    %scan3A_5 = arith.constant 1 : i32
    scf.for %scan3A_7 = %scan3A to %scan3A_4 step %scan3A_5  : i32 {
      %mul3A_8 = arith.constant 256 : i32
      %mul3A_9 = arith.muli %scan3A_7, %mul3A_8 : i32
      %dma_start3A = tpu.memref_slice %arg5[%mul3A_9] : memref<512xi32, #tpu.memory_space<vmem>> -> memref<256xi32, #tpu.memory_space<vmem>>
      %dma_start3A_10 = arith.constant 0 : i32
      %dma_start3A_11 = arith.constant 0 : i32
      %dma_start3A_12 = tpu.memref_slice %arg2[%dma_start3A_10, %dma_start3A_11] : memref<100000x128xf32, #tpu.memory_space<hbm>> -> memref<100000x128xf32, #tpu.memory_space<hbm>>
      tpu.enqueue_indirect_dma source(%dma_start3A_12 : memref<100000x128xf32, #tpu.memory_space<hbm>>) target(%arg6 : memref<256x128xf32, #tpu.memory_space<vmem>>) offsets(%dma_start3A : memref<256xi32, #tpu.memory_space<vmem>>) semaphore(%arg7 : memref<!tpu.dma_semaphore, #tpu.memory_space<semaphore_mem>>)
      %dma_wait3A = tpu.memref_slice %arg5[%mul3A_9] : memref<512xi32, #tpu.memory_space<vmem>> -> memref<256xi32, #tpu.memory_space<vmem>>
      %dma_wait3A_13 = arith.constant 0 : i32
      %dma_wait3A_14 = arith.constant 0 : i32
      %dma_wait3A_15 = tpu.memref_slice %arg2[%dma_wait3A_13, %dma_wait3A_14] : memref<100000x128xf32, #tpu.memory_space<hbm>> -> memref<100000x128xf32, #tpu.memory_space<hbm>>
      tpu.wait_indirect_dma semaphore(%arg7 : memref<!tpu.dma_semaphore, #tpu.memory_space<semaphore_mem>>) src(%dma_wait3A_15 : memref<100000x128xf32, #tpu.memory_space<hbm>>) dst(%arg6 : memref<256x128xf32, #tpu.memory_space<vmem>>)
      %add3A_16 = arith.addi %mul3A_2, %mul3A_9 : i32
      "tpu.region"() ({
        %run_scoped3A = tpu.sem_alloc : memref<!tpu.dma_semaphore, #tpu.memory_space<semaphore_mem>>
        %dma_start3A_17 = arith.constant 0 : i32
        %dma_start3A_18 = tpu.memref_slice %arg4[%add3A_16, %dma_start3A_17] : memref<16384x128xf32, #tpu.memory_space<hbm>> -> memref<256x128xf32, #tpu.memory_space<hbm>>
        %dma_start3A_19 = arith.constant 0 : i32
        %dma_start3A_20 = tpu.memref_slice %arg4[%add3A_16, %dma_start3A_19] : memref<16384x128xf32, #tpu.memory_space<hbm>> -> memref<256x128xf32, #tpu.memory_space<hbm>>
        tpu.enqueue_dma source(%arg6 : memref<256x128xf32, #tpu.memory_space<vmem>>) target(%dma_start3A_20 : memref<256x128xf32, #tpu.memory_space<hbm>>) target_semaphore(%run_scoped3A : memref<!tpu.dma_semaphore, #tpu.memory_space<semaphore_mem>>)
        %dma_wait3A_21 = arith.constant 0 : i32
        %dma_wait3A_22 = tpu.memref_slice %arg4[%add3A_16, %dma_wait3A_21] : memref<16384x128xf32, #tpu.memory_space<hbm>> -> memref<256x128xf32, #tpu.memory_space<hbm>>
        %dma_wait3A_23 = arith.constant 0 : i32
        %dma_wait3A_24 = tpu.memref_slice %arg4[%add3A_16, %dma_wait3A_23] : memref<16384x128xf32, #tpu.memory_space<hbm>> -> memref<256x128xf32, #tpu.memory_space<hbm>>
        tpu.wait_dma2 semaphore(%run_scoped3A : memref<!tpu.dma_semaphore, #tpu.memory_space<semaphore_mem>>) src(%arg6 : memref<256x128xf32, #tpu.memory_space<vmem>>) dst(%dma_wait3A_24 : memref<256x128xf32, #tpu.memory_space<hbm>>)
        tpu.yield
      }) : () -> ()
    }
    %scan3A_6 = arith.constant 2 : i32
    return
  }
}

#map = affine_map<(d0, d1) -> (0, 0)>
#map1 = affine_map<(d0, d1) -> (0)>
module attributes {stable_mosaic.version = 14 : i64} {
  func.func @k(%arg0: i32, %arg1: i32, %arg2: memref<100000x128xf32, #tpu.memory_space<hbm>>, %arg3: memref<16384xi32, #tpu.memory_space<hbm>>, %arg4: memref<16384xi32, #tpu.memory_space<hbm>>, %arg5: memref<16384x128xf32, #tpu.memory_space<hbm>>, %arg6: memref<16384x128xf32, #tpu.memory_space<hbm>>, %arg7: memref<512xi32, #tpu.memory_space<vmem>>, %arg8: memref<512xi32, #tpu.memory_space<vmem>>, %arg9: memref<256x128xf32, #tpu.memory_space<vmem>>, %arg10: memref<256x128xf32, #tpu.memory_space<vmem>>, %arg11: memref<!tpu.dma_semaphore, #tpu.memory_space<semaphore_mem>>) attributes {dimension_semantics = [#tpu.dimension_semantics<core_parallel>, #tpu.dimension_semantics<subcore_parallel>], iteration_bounds = array<i64: 2, 16>, scalar_prefetch = 0 : i64, scratch_operands = 5 : i64, tpu.core_type = #tpu.core_type<sc_vector_subcore>, window_params = [{transform_indices = #map}, {transform_indices = #map1}, {transform_indices = #map1}, {transform_indices = #map}, {transform_indices = #map}]} {
    %mul3A = arith.constant 2 : i32
    %mul3A_0 = arith.muli %arg1, %mul3A : i32
    %add3A = arith.addi %mul3A_0, %arg0 : i32
    %mul3A_1 = arith.constant 512 : i32
    %mul3A_2 = arith.muli %add3A, %mul3A_1 : i32
    "tpu.region"() ({
      %run_scoped3A = tpu.sem_alloc : memref<!tpu.dma_semaphore, #tpu.memory_space<semaphore_mem>>
      %dma_start3A = tpu.memref_slice %arg3[%mul3A_2] : memref<16384xi32, #tpu.memory_space<hbm>> -> memref<512xi32, #tpu.memory_space<hbm>>
      %dma_start3A_7 = tpu.memref_slice %arg3[%mul3A_2] : memref<16384xi32, #tpu.memory_space<hbm>> -> memref<512xi32, #tpu.memory_space<hbm>>
      tpu.enqueue_dma source(%dma_start3A_7 : memref<512xi32, #tpu.memory_space<hbm>>) target(%arg7 : memref<512xi32, #tpu.memory_space<vmem>>) target_semaphore(%run_scoped3A : memref<!tpu.dma_semaphore, #tpu.memory_space<semaphore_mem>>)
      %dma_wait3A = tpu.memref_slice %arg3[%mul3A_2] : memref<16384xi32, #tpu.memory_space<hbm>> -> memref<512xi32, #tpu.memory_space<hbm>>
      %dma_wait3A_8 = tpu.memref_slice %arg3[%mul3A_2] : memref<16384xi32, #tpu.memory_space<hbm>> -> memref<512xi32, #tpu.memory_space<hbm>>
      tpu.wait_dma2 semaphore(%run_scoped3A : memref<!tpu.dma_semaphore, #tpu.memory_space<semaphore_mem>>) src(%dma_wait3A_8 : memref<512xi32, #tpu.memory_space<hbm>>) dst(%arg7 : memref<512xi32, #tpu.memory_space<vmem>>)
      tpu.yield
    }) : () -> ()
    "tpu.region"() ({
      %run_scoped3A = tpu.sem_alloc : memref<!tpu.dma_semaphore, #tpu.memory_space<semaphore_mem>>
      %dma_start3A = tpu.memref_slice %arg4[%mul3A_2] : memref<16384xi32, #tpu.memory_space<hbm>> -> memref<512xi32, #tpu.memory_space<hbm>>
      %dma_start3A_7 = tpu.memref_slice %arg4[%mul3A_2] : memref<16384xi32, #tpu.memory_space<hbm>> -> memref<512xi32, #tpu.memory_space<hbm>>
      tpu.enqueue_dma source(%dma_start3A_7 : memref<512xi32, #tpu.memory_space<hbm>>) target(%arg8 : memref<512xi32, #tpu.memory_space<vmem>>) target_semaphore(%run_scoped3A : memref<!tpu.dma_semaphore, #tpu.memory_space<semaphore_mem>>)
      %dma_wait3A = tpu.memref_slice %arg4[%mul3A_2] : memref<16384xi32, #tpu.memory_space<hbm>> -> memref<512xi32, #tpu.memory_space<hbm>>
      %dma_wait3A_8 = tpu.memref_slice %arg4[%mul3A_2] : memref<16384xi32, #tpu.memory_space<hbm>> -> memref<512xi32, #tpu.memory_space<hbm>>
      tpu.wait_dma2 semaphore(%run_scoped3A : memref<!tpu.dma_semaphore, #tpu.memory_space<semaphore_mem>>) src(%dma_wait3A_8 : memref<512xi32, #tpu.memory_space<hbm>>) dst(%arg8 : memref<512xi32, #tpu.memory_space<vmem>>)
      tpu.yield
    }) : () -> ()
    %scan3A = arith.constant 0 : i32
    %scan3A_3 = arith.constant 2 : i32
    %scan3A_4 = arith.addi %scan3A, %scan3A_3 : i32
    %scan3A_5 = arith.constant 1 : i32
    scf.for %scan3A_7 = %scan3A to %scan3A_4 step %scan3A_5  : i32 {
      %mul3A_8 = arith.constant 256 : i32
      %mul3A_9 = arith.muli %scan3A_7, %mul3A_8 : i32
      %dma_start3A = tpu.memref_slice %arg7[%mul3A_9] : memref<512xi32, #tpu.memory_space<vmem>> -> memref<256xi32, #tpu.memory_space<vmem>>
      %dma_start3A_10 = arith.constant 0 : i32
      %dma_start3A_11 = arith.constant 0 : i32
      %dma_start3A_12 = tpu.memref_slice %arg2[%dma_start3A_10, %dma_start3A_11] : memref<100000x128xf32, #tpu.memory_space<hbm>> -> memref<100000x128xf32, #tpu.memory_space<hbm>>
      tpu.enqueue_indirect_dma source(%dma_start3A_12 : memref<100000x128xf32, #tpu.memory_space<hbm>>) target(%arg9 : memref<256x128xf32, #tpu.memory_space<vmem>>) offsets(%dma_start3A : memref<256xi32, #tpu.memory_space<vmem>>) semaphore(%arg11 : memref<!tpu.dma_semaphore, #tpu.memory_space<semaphore_mem>>)
      %dma_start3A_13 = tpu.memref_slice %arg8[%mul3A_9] : memref<512xi32, #tpu.memory_space<vmem>> -> memref<256xi32, #tpu.memory_space<vmem>>
      %dma_start3A_14 = arith.constant 0 : i32
      %dma_start3A_15 = arith.constant 0 : i32
      %dma_start3A_16 = tpu.memref_slice %arg2[%dma_start3A_14, %dma_start3A_15] : memref<100000x128xf32, #tpu.memory_space<hbm>> -> memref<100000x128xf32, #tpu.memory_space<hbm>>
      tpu.enqueue_indirect_dma source(%dma_start3A_16 : memref<100000x128xf32, #tpu.memory_space<hbm>>) target(%arg10 : memref<256x128xf32, #tpu.memory_space<vmem>>) offsets(%dma_start3A_13 : memref<256xi32, #tpu.memory_space<vmem>>) semaphore(%arg11 : memref<!tpu.dma_semaphore, #tpu.memory_space<semaphore_mem>>)
      %dma_wait3A = tpu.memref_slice %arg7[%mul3A_9] : memref<512xi32, #tpu.memory_space<vmem>> -> memref<256xi32, #tpu.memory_space<vmem>>
      %dma_wait3A_17 = arith.constant 0 : i32
      %dma_wait3A_18 = arith.constant 0 : i32
      %dma_wait3A_19 = tpu.memref_slice %arg2[%dma_wait3A_17, %dma_wait3A_18] : memref<100000x128xf32, #tpu.memory_space<hbm>> -> memref<100000x128xf32, #tpu.memory_space<hbm>>
      tpu.wait_indirect_dma semaphore(%arg11 : memref<!tpu.dma_semaphore, #tpu.memory_space<semaphore_mem>>) src(%dma_wait3A_19 : memref<100000x128xf32, #tpu.memory_space<hbm>>) dst(%arg9 : memref<256x128xf32, #tpu.memory_space<vmem>>)
      %dma_wait3A_20 = tpu.memref_slice %arg8[%mul3A_9] : memref<512xi32, #tpu.memory_space<vmem>> -> memref<256xi32, #tpu.memory_space<vmem>>
      %dma_wait3A_21 = arith.constant 0 : i32
      %dma_wait3A_22 = arith.constant 0 : i32
      %dma_wait3A_23 = tpu.memref_slice %arg2[%dma_wait3A_21, %dma_wait3A_22] : memref<100000x128xf32, #tpu.memory_space<hbm>> -> memref<100000x128xf32, #tpu.memory_space<hbm>>
      tpu.wait_indirect_dma semaphore(%arg11 : memref<!tpu.dma_semaphore, #tpu.memory_space<semaphore_mem>>) src(%dma_wait3A_23 : memref<100000x128xf32, #tpu.memory_space<hbm>>) dst(%arg10 : memref<256x128xf32, #tpu.memory_space<vmem>>)
      %add3A_24 = arith.addi %mul3A_2, %mul3A_9 : i32
      "tpu.region"() ({
        %run_scoped3A = tpu.sem_alloc : memref<!tpu.dma_semaphore, #tpu.memory_space<semaphore_mem>>
        %dma_start3A_25 = arith.constant 0 : i32
        %dma_start3A_26 = tpu.memref_slice %arg5[%add3A_24, %dma_start3A_25] : memref<16384x128xf32, #tpu.memory_space<hbm>> -> memref<256x128xf32, #tpu.memory_space<hbm>>
        %dma_start3A_27 = arith.constant 0 : i32
        %dma_start3A_28 = tpu.memref_slice %arg5[%add3A_24, %dma_start3A_27] : memref<16384x128xf32, #tpu.memory_space<hbm>> -> memref<256x128xf32, #tpu.memory_space<hbm>>
        tpu.enqueue_dma source(%arg9 : memref<256x128xf32, #tpu.memory_space<vmem>>) target(%dma_start3A_28 : memref<256x128xf32, #tpu.memory_space<hbm>>) target_semaphore(%run_scoped3A : memref<!tpu.dma_semaphore, #tpu.memory_space<semaphore_mem>>)
        %dma_wait3A_29 = arith.constant 0 : i32
        %dma_wait3A_30 = tpu.memref_slice %arg5[%add3A_24, %dma_wait3A_29] : memref<16384x128xf32, #tpu.memory_space<hbm>> -> memref<256x128xf32, #tpu.memory_space<hbm>>
        %dma_wait3A_31 = arith.constant 0 : i32
        %dma_wait3A_32 = tpu.memref_slice %arg5[%add3A_24, %dma_wait3A_31] : memref<16384x128xf32, #tpu.memory_space<hbm>> -> memref<256x128xf32, #tpu.memory_space<hbm>>
        tpu.wait_dma2 semaphore(%run_scoped3A : memref<!tpu.dma_semaphore, #tpu.memory_space<semaphore_mem>>) src(%arg9 : memref<256x128xf32, #tpu.memory_space<vmem>>) dst(%dma_wait3A_32 : memref<256x128xf32, #tpu.memory_space<hbm>>)
        tpu.yield
      }) : () -> ()
      "tpu.region"() ({
        %run_scoped3A = tpu.sem_alloc : memref<!tpu.dma_semaphore, #tpu.memory_space<semaphore_mem>>
        %dma_start3A_25 = arith.constant 0 : i32
        %dma_start3A_26 = tpu.memref_slice %arg6[%add3A_24, %dma_start3A_25] : memref<16384x128xf32, #tpu.memory_space<hbm>> -> memref<256x128xf32, #tpu.memory_space<hbm>>
        %dma_start3A_27 = arith.constant 0 : i32
        %dma_start3A_28 = tpu.memref_slice %arg6[%add3A_24, %dma_start3A_27] : memref<16384x128xf32, #tpu.memory_space<hbm>> -> memref<256x128xf32, #tpu.memory_space<hbm>>
        tpu.enqueue_dma source(%arg10 : memref<256x128xf32, #tpu.memory_space<vmem>>) target(%dma_start3A_28 : memref<256x128xf32, #tpu.memory_space<hbm>>) target_semaphore(%run_scoped3A : memref<!tpu.dma_semaphore, #tpu.memory_space<semaphore_mem>>)
        %dma_wait3A_29 = arith.constant 0 : i32
        %dma_wait3A_30 = tpu.memref_slice %arg6[%add3A_24, %dma_wait3A_29] : memref<16384x128xf32, #tpu.memory_space<hbm>> -> memref<256x128xf32, #tpu.memory_space<hbm>>
        %dma_wait3A_31 = arith.constant 0 : i32
        %dma_wait3A_32 = tpu.memref_slice %arg6[%add3A_24, %dma_wait3A_31] : memref<16384x128xf32, #tpu.memory_space<hbm>> -> memref<256x128xf32, #tpu.memory_space<hbm>>
        tpu.wait_dma2 semaphore(%run_scoped3A : memref<!tpu.dma_semaphore, #tpu.memory_space<semaphore_mem>>) src(%arg10 : memref<256x128xf32, #tpu.memory_space<vmem>>) dst(%dma_wait3A_32 : memref<256x128xf32, #tpu.memory_space<hbm>>)
        tpu.yield
      }) : () -> ()
    }
    %scan3A_6 = arith.constant 2 : i32
    return
  }
}

module attributes {stable_mosaic.version = 14 : i64} {
  func.func @_entcat_body(%arg0: i32, %arg1: memref<64x16384xf32, #tpu.memory_space<vmem>>, %arg2: memref<64x16384xf32, #tpu.memory_space<vmem>>, %arg3: memref<16384x128xf32, #tpu.memory_space<vmem>>) attributes {dimension_semantics = [#tpu.dimension_semantics<arbitrary>], iteration_bounds = array<i64: 7>, scalar_prefetch = 0 : i64, scratch_operands = 0 : i64, tpu.core_type = #tpu.core_type<tc>, window_params = [{transform_indices = @transform_0, window_bounds = array<i64: 64, 16384>}, {transform_indices = @transform_1, window_bounds = array<i64: 64, 16384>}, {transform_indices = @transform_2, window_bounds = array<i64: 16384, 128>}]} {
    %get3A = arith.constant 0 : index
    %get3A_0 = arith.constant 0 : index
    %get3A_1 = vector.load %arg1[%get3A, %get3A_0] : memref<64x16384xf32, #tpu.memory_space<vmem>>, vector<64x16384xf32>
    %get3A_2 = arith.constant 0 : index
    %get3A_3 = arith.constant 0 : index
    %get3A_4 = vector.load %arg2[%get3A_2, %get3A_3] : memref<64x16384xf32, #tpu.memory_space<vmem>>, vector<64x16384xf32>
    %concatenate3A = tpu.concatenate %get3A_1, %get3A_4 in 0 : vector<64x16384xf32>, vector<64x16384xf32> -> vector<128x16384xf32>
    %transpose3A = tpu.transpose %concatenate3A, [1, 0] : vector<128x16384xf32> -> vector<16384x128xf32>
    %swap3A = arith.constant 0 : index
    %swap3A_5 = arith.constant 0 : index
    %swap3A_6 = vector.load %arg3[%swap3A, %swap3A_5] : memref<16384x128xf32, #tpu.memory_space<vmem>>, vector<16384x128xf32>
    tpu.vector_store %arg3[%swap3A, %swap3A_5], %transpose3A {strides = array<i32>} : memref<16384x128xf32, #tpu.memory_space<vmem>>, vector<16384x128xf32>,
    return
  }
  func.func @transform_0(%arg0: i32) -> (i32, i32) {
    %c0_i32 = arith.constant 0 : i32
    %c0_i32_0 = arith.constant 0 : i32
    return %c0_i32, %arg0 : i32, i32
  }
  func.func @transform_1(%arg0: i32) -> (i32, i32) {
    %c0_i32 = arith.constant 0 : i32
    %c0_i32_0 = arith.constant 0 : i32
    return %c0_i32, %arg0 : i32, i32
  }
  func.func @transform_2(%arg0: i32) -> (i32, i32) {
    %c0_i32 = arith.constant 0 : i32
    %c0_i32_0 = arith.constant 0 : i32
    return %arg0, %c0_i32 : i32, i32
  }
}

module attributes {stable_mosaic.version = 14 : i64} {
  func.func @_score_body(%arg0: i32, %arg1: memref<2048x128xf32, #tpu.memory_space<vmem>>, %arg2: memref<2048x128xf32, #tpu.memory_space<vmem>>, %arg3: memref<2048x128xf32, #tpu.memory_space<vmem>>, %arg4: memref<2048x1xf32, #tpu.memory_space<vmem>>) attributes {dimension_semantics = [#tpu.dimension_semantics<arbitrary>], iteration_bounds = array<i64: 8>, scalar_prefetch = 0 : i64, scratch_operands = 0 : i64, tpu.core_type = #tpu.core_type<tc>, window_params = [{transform_indices = @transform_0, window_bounds = array<i64: 2048, 128>}, {transform_indices = @transform_1, window_bounds = array<i64: 2048, 128>}, {transform_indices = @transform_2, window_bounds = array<i64: 2048, 128>}, {transform_indices = @transform_3, window_bounds = array<i64: 2048, 1>}]} {
    %get3A = arith.constant 0 : index
    %get3A_0 = arith.constant 0 : index
    %get3A_1 = vector.load %arg1[%get3A, %get3A_0] : memref<2048x128xf32, #tpu.memory_space<vmem>>, vector<2048x128xf32>
    %get3A_2 = arith.constant 0 : index
    %get3A_3 = arith.constant 0 : index
    %get3A_4 = vector.load %arg2[%get3A_2, %get3A_3] : memref<2048x128xf32, #tpu.memory_space<vmem>>, vector<2048x128xf32>
    %get3A_5 = arith.constant 0 : index
    %get3A_6 = arith.constant 0 : index
    %get3A_7 = vector.load %arg3[%get3A_5, %get3A_6] : memref<2048x128xf32, #tpu.memory_space<vmem>>, vector<2048x128xf32>
    %iota3A = tpu.iota {dimensions = array<i32: 1>} : vector<2048x128xi32>
    %lt3A = arith.constant 64 : i32
    %lt3A_8 = vector.broadcast %lt3A : i32 to vector<2048x128xi32>
    %lt3A_9 = arith.cmpi slt, %iota3A, %lt3A_8 : vector<2048x128xi32>
    %roll3A = arith.constant 64 : i32
    %roll3A_10 = tpu.dynamic_rotate %get3A_7 by %roll3A dim 1 : vector<2048x128xf32>, i32 -> vector<2048x128xf32>
    %select_n3A = arith.select %lt3A_9, %roll3A_10, %get3A_7 : vector<2048x128xi1>, vector<2048x128xf32>
    %cos3A = math.cos %get3A_7 : vector<2048x128xf32>
    %sin3A = math.sin %get3A_7 : vector<2048x128xf32>
    %roll3A_11 = arith.constant 64 : i32
    %roll3A_12 = tpu.dynamic_rotate %sin3A by %roll3A_11 dim 1 : vector<2048x128xf32>, i32 -> vector<2048x128xf32>
    %select_n3A_13 = arith.select %lt3A_9, %cos3A, %roll3A_12 : vector<2048x128xi1>, vector<2048x128xf32>
    %iota3A_14 = tpu.iota {dimensions = array<i32: 0>} : vector<128x128xi32>
    %iota3A_15 = tpu.iota {dimensions = array<i32: 1>} : vector<128x128xi32>
    %lt3A_16 = arith.constant 64 : i32
    %lt3A_17 = vector.broadcast %lt3A_16 : i32 to vector<128x128xi32>
    %lt3A_18 = arith.cmpi slt, %iota3A_14, %lt3A_17 : vector<128x128xi32>
    %lt3A_19 = arith.constant 64 : i32
    %lt3A_20 = vector.broadcast %lt3A_19 : i32 to vector<128x128xi32>
    %lt3A_21 = arith.cmpi slt, %iota3A_15, %lt3A_20 : vector<128x128xi32>
    %eq3A = arith.xori %lt3A_18, %lt3A_21 : vector<128x128xi1>
    %eq3A_22 = arith.constant dense<true> : vector<128x128xi1>
    %eq3A_23 = arith.xori %eq3A, %eq3A_22 : vector<128x128xi1>
    %convert_element_type3A = arith.extui %eq3A_23 : vector<128x128xi1> to vector<128x128xi32>
    %convert_element_type3A_24 = arith.sitofp %convert_element_type3A : vector<128x128xi32> to vector<128x128xf32>
    %mul3A = arith.mulf %select_n3A, %get3A_1 : vector<2048x128xf32>
    %dot_general3A = arith.constant dense<0.000000e+00> : vector<2048x128xf32>
    %dot_general3A_25 = tpu.matmul %mul3A, %convert_element_type3A_24, %dot_general3A {dimension_numbers = #tpu.dot_dimension_numbers<[1], [0], [0], [1], [0, 0, 1, 1], [], []>, transpose_lhs_hint = false} : vector<2048x128xf32>, vector<128x128xf32>, vector<2048x128xf32> -> vector<2048x128xf32>
    %mul3A_26 = arith.mulf %select_n3A, %get3A_4 : vector<2048x128xf32>
    %dot_general3A_27 = arith.constant dense<0.000000e+00> : vector<2048x128xf32>
    %dot_general3A_28 = tpu.matmul %mul3A_26, %convert_element_type3A_24, %dot_general3A_27 {dimension_numbers = #tpu.dot_dimension_numbers<[1], [0], [0], [1], [0, 0, 1, 1], [], []>, transpose_lhs_hint = false} : vector<2048x128xf32>, vector<128x128xf32>, vector<2048x128xf32> -> vector<2048x128xf32>
    %mul3A_29 = arith.mulf %dot_general3A_25, %select_n3A : vector<2048x128xf32>
    %sub3A = arith.subf %get3A_1, %mul3A_29 : vector<2048x128xf32>
    %mul3A_30 = arith.mulf %dot_general3A_28, %select_n3A : vector<2048x128xf32>
    %sub3A_31 = arith.subf %get3A_4, %mul3A_30 : vector<2048x128xf32>
    %roll3A_32 = arith.constant 64 : i32
    %roll3A_33 = tpu.dynamic_rotate %select_n3A_13 by %roll3A_32 dim 1 : vector<2048x128xf32>, i32 -> vector<2048x128xf32>
    %select_n3A_34 = arith.select %lt3A_9, %select_n3A_13, %roll3A_33 : vector<2048x128xi1>, vector<2048x128xf32>
    %neg3A = arith.constant 0.000000e+00 : f32
    %neg3A_35 = vector.broadcast %neg3A : f32 to vector<2048x128xf32>
    %neg3A_36 = arith.subf %neg3A_35, %roll3A_33 : vector<2048x128xf32>
    %select_n3A_37 = arith.select %lt3A_9, %neg3A_36, %select_n3A_13 : vector<2048x128xi1>, vector<2048x128xf32>
    %roll3A_38 = arith.constant 64 : i32
    %roll3A_39 = tpu.dynamic_rotate %sub3A by %roll3A_38 dim 1 : vector<2048x128xf32>, i32 -> vector<2048x128xf32>
    %mul3A_40 = arith.mulf %sub3A, %select_n3A_34 : vector<2048x128xf32>
    %mul3A_41 = arith.mulf %roll3A_39, %select_n3A_37 : vector<2048x128xf32>
    %add3A = arith.addf %mul3A_40, %mul3A_41 : vector<2048x128xf32>
    %sub3A_42 = arith.subf %add3A, %sub3A_31 : vector<2048x128xf32>
    %mul3A_43 = arith.mulf %sub3A_42, %sub3A_42 : vector<2048x128xf32>
    %roll3A_44 = arith.constant 64 : i32
    %roll3A_45 = tpu.dynamic_rotate %mul3A_43 by %roll3A_44 dim 1 : vector<2048x128xf32>, i32 -> vector<2048x128xf32>
    %add3A_46 = arith.addf %mul3A_43, %roll3A_45 : vector<2048x128xf32>
    %sqrt3A = math.sqrt %add3A_46 : vector<2048x128xf32>
    %broadcast_in_dim3A = arith.constant 1.000000e+00 : f32
    %broadcast_in_dim3A_47 = vector.broadcast %broadcast_in_dim3A : f32 to vector<128x1xf32>
    %dot_general3A_48 = arith.constant dense<0.000000e+00> : vector<2048x1xf32>
    %dot_general3A_49 = tpu.matmul %sqrt3A, %broadcast_in_dim3A_47, %dot_general3A_48 {dimension_numbers = #tpu.dot_dimension_numbers<[1], [0], [0], [1], [0, 0, 1, 1], [], []>, transpose_lhs_hint = false} : vector<2048x128xf32>, vector<128x1xf32>, vector<2048x1xf32> -> vector<2048x1xf32>
    %mul3A_50 = arith.constant 5.000000e-01 : f32
    %mul3A_51 = vector.broadcast %mul3A_50 : f32 to vector<2048x1xf32>
    %mul3A_52 = arith.mulf %mul3A_51, %dot_general3A_49 : vector<2048x1xf32>
    %sub3A_53 = arith.constant 1.200000e+01 : f32
    %sub3A_54 = vector.broadcast %sub3A_53 : f32 to vector<2048x1xf32>
    %sub3A_55 = arith.subf %mul3A_52, %sub3A_54 : vector<2048x1xf32>
    %swap3A = arith.constant 0 : index
    %swap3A_56 = arith.constant 0 : index
    %swap3A_57 = vector.load %arg4[%swap3A, %swap3A_56] : memref<2048x1xf32, #tpu.memory_space<vmem>>, vector<2048x1xf32>
    tpu.vector_store %arg4[%swap3A, %swap3A_56], %sub3A_55 {strides = array<i32>} : memref<2048x1xf32, #tpu.memory_space<vmem>>, vector<2048x1xf32>,
    return
  }
  func.func @transform_0(%arg0: i32) -> (i32, i32) {
    %c0_i32 = arith.constant 0 : i32
    %c0_i32_0 = arith.constant 0 : i32
    return %arg0, %c0_i32 : i32, i32
  }
  func.func @transform_1(%arg0: i32) -> (i32, i32) {
    %c0_i32 = arith.constant 0 : i32
    %c0_i32_0 = arith.constant 0 : i32
    return %arg0, %c0_i32 : i32, i32
  }
  func.func @transform_2(%arg0: i32) -> (i32, i32) {
    %c0_i32 = arith.constant 0 : i32
    %c0_i32_0 = arith.constant 0 : i32
    return %arg0, %c0_i32 : i32, i32
  }
  func.func @transform_3(%arg0: i32) -> (i32, i32) {
    %c0_i32 = arith.constant 0 : i32
    %c0_i32_0 = arith.constant 0 : i32
    return %arg0, %c0_i32 : i32, i32
  }
}

</mosaic_0001>

<sc_bundles>
// kernel: kernel.10.cloned.1.call-start
scs
__scs_entry_jumppad:
0x0: {  	(pc) =	sbr.rel $0x88, $3  }
0x1: {  	(tag) =	ssettag $0x0;
	lr =	simm.s32 $0x1  }
0x2: {  	[smem:$0x3F9C] =	sst lr;
	_ =	strace $0xD0000000  }
0x3: {  	_ = 	snop  }
0x4: {  	_ = 	snop  }
0x5: {  	_ = 	snop  }
0x6: {  	_ = 	snop  }
0x7: {  	_ = 	snop  }
__scs_overlays_trampoline_lowered:
0x8: {  	[smem:$0x3FAB] =	sst s0  }
0x9: {  	[smem:$0x3FAC] =	sst s1  }
0xa: {  	[smem:$0x3FAD] =	sst s2  }
0xb: {  	[smem:$0x3FAE] =	sst s3  }
0xc: {  	[smem:$0x3FAF] =	sst s4  }
0xd: {  	[smem:$0x3FB0] =	sst s5  }
0xe: {  	[smem:$0x3FB1] =	sst s6  }
0xf: {  	[smem:$0x3FB2] =	sst s7  }
0x10: {  	[smem:$0x3FB3] =	sst s8  }
0x11: {  	[smem:$0x3FB4] =	sst s9;
	s0 =	simm.s32 @!p0 $0x0  }
0x12: {  	s1 =	sld [smem:$0x3F9A];
	s0 =	simm.s32 @p0 $0x1  }
0x13: {  	[smem:$0x3FB5] =	sst s0;
	s0 =	simm.s32 @!p1 $0x0  }
0x14: {  	s2 =	sld [smem:$0x3F99];
	s0 =	simm.s32 @p1 $0x1  }
0x15: {  	[smem:$0x3FB6] =	sst s0;
	s0 =	simm.s32 @!p2 $0x0  }
0x16: {  	s3 =	sld [smem:$0x3FDB];
	s0 =	simm.s32 @p2 $0x1  }
0x17: {  	s4 =	simm.s32 $0x1BF5;
	[smem:$0x3FB8] =	sst s0  }
0x18: {  	s0 =	sld [smem:$0x3F9B];
	_ =	swait.ge [sflag:s4], $0x0  }
0x19: {  	s7 =	sld [smem:$0x3F9C]  }
0x1a: {  	s8 =	sadd.s32 $0xFFFFE003, lr  }
0x1b: {  	s9 =	sadd.s32 $0xFFFFFEF7, lr;
	s5 =	simm.s32 $0xFFFFFFFF;
	p2 =	slt.u32 s8, $0xFFFFF086  }
0x1c: {  	p1 =	slt.u32 s9, $0xF7A;
	s5 =	simm.s32 @!p2 $0x0  }
0x1d: {  	s5 =	simm.s32 @p1 $0x1;
	p0 =	seq.s32 s7, s2  }
0x1e: {  	s7 =	smul.u32 @!p0 $0xF7A, s2;
	p2 =	seq.s32 @!p0 s5, $0x0  }
0x1f: {  	s9 =	smul.u32 $0xF7A, s1;
	s8 =	simm.s32 @!p0 $0x1BF5;
	p2 =	por !p2, p0  }
0x20: {  	[sflag:s8] =	ssyncset.s32 @!p0 $0xFFFFF086;
	s6 =	sadd.s32 @!p0 s3, s7;
	s7 =	simm.s32 @!p0 $0x108  }
0x21: {  	s3 =	sadd.s32 s3, s9;
	s6 =	sadd.s32 @!p0 $0x88, s6;
	s7 =	simm.s32 @p2 $0x1082  }
0x22: {  	[simem:s7], [sflag:s8] =	dma.local @!p0 [hbm:s6], $0xF7A  }
0x23: {  	s9 =	sor.u32 $0xD0000000, s2;
	s6 =	simm.s32 $0x108;
	_ =	swait.ge @!p0 [sflag:s8], $0x0  }
0x24: {  	s3 =	sadd.s32 $0x88, s3;
	s6 =	simm.s32 @!p1 $0x1082;
	[sflag:s4] =	ssyncset.s32 $0xFFFFF086  }
0x25: {  	[simem:s6], [sflag:s4] =	dma.local [hbm:s3], $0xF7A  }
0x26: {  	[smem:$0x3F9C] =	sst s1;
	(tag) =	ssettag s2;
	_ =	strace s9  }
0x27: {  	s1 =	sld [smem:$0x3FAC]  }
0x28: {  	s2 =	sld [smem:$0x3FAD]  }
0x29: {  	s4 =	sld [smem:$0x3FAF]  }
0x2a: {  	p0 =	seq.s32 s5, $0x0;
	s5 =	sld [smem:$0x3FB0]  }
0x2b: {  	s6 =	sld [smem:$0x3FB1]  }
0x2c: {  	s7 =	sld [smem:$0x3FB2]  }
0x2d: {  	s3 =	simm.s32 $0x108;
	s8 =	sld [smem:$0x3FB3]  }
0x2e: {  	s3 =	simm.s32 @!p0 $0x1082;
	s9 =	sld [smem:$0x3FB4]  }
0x2f: {  	lr =	sadd.s32 s0, s3;
	s0 =	sld [smem:$0x3FAB]  }
0x30: {  	s3 =	sld [smem:$0x3FAE]  }
0x31: {  	[smem:$0x3FB7] =	sst s10  }
0x32: {  	s10 =	sld [smem:$0x3FB5];
	_ =	sdelay $0x3  }
0x33: {  	p0 =	seq.s32 s10, $0x1;
	s10 =	sld [smem:$0x3FB7];
	_ =	sdelay $0x3  }
0x34: {  	[smem:$0x3FB7] =	sst s10  }
0x35: {  	s10 =	sld [smem:$0x3FB6];
	_ =	sdelay $0x3  }
0x36: {  	p1 =	seq.s32 s10, $0x1;
	s10 =	sld [smem:$0x3FB7];
	_ =	sdelay $0x3  }
0x37: {  	[smem:$0x3FB7] =	sst s10  }
0x38: {  	s10 =	sld [smem:$0x3FB8]  }
0x39: {  	_ = 	snop;
	(pc) =	sbr.ind lr, $3  }
0x3a: {  	_ = 	snop  }
0x3b: {  	_ = 	snop  }
0x3c: {  	p2 =	seq.s32 s10, $0x1;
	s10 =	sld [smem:$0x3FB7]  }
0x3d: {  	_ =	shalt  }
0x3e: {  	_ =	shalt  }
0x3f: {  	_ =	shalt  }
0x40: {  	_ =	shalt  }
0x41: {  	_ =	shalt  }
0x42: {  	_ =	shalt  }
0x43: {  	_ =	shalt  }
0x44: {  	_ =	shalt  }
0x45: {  	_ =	shalt  }
0x46: {  	_ =	shalt  }
0x47: {  	_ =	shalt  }
0x48: {  	_ =	shalt  }
0x49: {  	_ =	shalt  }
0x4a: {  	_ =	shalt  }
0x4b: {  	_ =	shalt  }
0x4c: {  	_ =	shalt  }
0x4d: {  	_ =	shalt  }
0x4e: {  	_ =	shalt  }
0x4f: {  	_ =	shalt  }
0x50: {  	_ =	shalt  }
0x51: {  	_ =	shalt  }
0x52: {  	_ =	shalt  }
0x53: {  	_ =	shalt  }
0x54: {  	_ =	shalt  }
0x55: {  	_ =	shalt  }
0x56: {  	_ =	shalt  }
0x57: {  	_ =	shalt  }
0x58: {  	_ =	shalt  }
0x59: {  	_ =	shalt  }
0x5a: {  	_ =	shalt  }
0x5b: {  	_ =	shalt  }
0x5c: {  	_ =	shalt  }
0x5d: {  	_ =	shalt  }
0x5e: {  	_ =	shalt  }
0x5f: {  	_ =	shalt  }
0x60: {  	_ =	shalt  }
0x61: {  	_ =	shalt  }
0x62: {  	_ =	shalt  }
0x63: {  	_ =	shalt  }
0x64: {  	_ =	shalt  }
0x65: {  	_ =	shalt  }
0x66: {  	_ =	shalt  }
0x67: {  	_ =	shalt  }
0x68: {  	_ =	shalt  }
0x69: {  	_ =	shalt  }
0x6a: {  	_ =	shalt  }
0x6b: {  	_ =	shalt  }
0x6c: {  	_ =	shalt  }
0x6d: {  	_ =	shalt  }
0x6e: {  	_ =	shalt  }
0x6f: {  	_ =	shalt  }
0x70: {  	_ =	shalt  }
0x71: {  	_ =	shalt  }
0x72: {  	_ =	shalt  }
0x73: {  	_ =	shalt  }
0x74: {  	_ =	shalt  }
0x75: {  	_ =	shalt  }
0x76: {  	_ =	shalt  }
0x77: {  	_ =	shalt  }
0x78: {  	_ =	shalt  }
0x79: {  	_ =	shalt  }
0x7a: {  	_ =	shalt  }
0x7b: {  	_ =	shalt  }
0x7c: {  	_ =	shalt  }
0x7d: {  	_ =	shalt  }
0x7e: {  	_ =	shalt  }
0x7f: {  	_ =	shalt  }
0x80: {  	_ =	shalt  }
0x81: {  	_ =	shalt  }
0x82: {  	_ =	shalt  }
0x83: {  	_ =	shalt  }
0x84: {  	_ =	shalt  }
0x85: {  	_ =	shalt  }
0x86: {  	_ =	shalt  }
0x87: {  	_ =	shalt  }
.Lfunc_end0:
.L_simem_size_0:
called_computation.1_lowered:
.L_overlay_start_0:
0x88: {  	s2 =	sld [smem:$0x3FD9]  }
0x89: {  	s3 =	sld [smem:$0x3FFE];
	_ =	sdelay $0x1  }
0x8a: {  	s1 =	srdreg.scid  }
0x8b: {  	s0 =	sand.u32 $0x1, s1  }
0x8c: {  	s17 =	sshll.u32 s0, $0xA;
	s2 =	sadd.s32 s3, s2  }
0x8d: {  	s2 =	sadd.s32 s2, s17  }
0x8e: {  	[smem:$0x3FC3] =	sst s2  }
0x8f: {  	_ = 	snop  }
0x90: {  	s18 =	sld [smem:$0x3FD0];
	(tm) =	ssettm $0x1  }
0x91: {  	s19 =	sld [smem:$0x3FFB];
	_ =	sdelay $0x3  }
0x92: {  	_ =	strace s19  }
0x93: {  	s2 =	sld [smem:$0x3FFC];
	_ =	sdelay $0x3  }
0x94: {  	_ =	strace s2  }
0x95: {  	s2 =	sld [smem:$0x3FFD];
	_ =	sdelay $0x3  }
0x96: {  	_ =	strace s2  }
0x97: {  	_ =	strace $0x8FFFFFFF  }
0x98: {  	s20 =	sld [smem:$0x3FDB];
	_ =	sdelay $0x1  }
0x99: {  	s4 =	simm.s32 $_scs_section_size  }
0x9a: {  	s5 =	simm.s32 $_size__tile_overlayer_lowered;
	s6 =	simm.s32 $_tile_overlayer_lowered  }
0x9b: {  	s7 =	simm.s32 $0x1BFF;
	s21 =	sshll.u32 s6, $0x1;
	s4 =	sadd.s32 s4, s20  }
0x9c: {  	s22 =	simm.s32 $0x0;
	s5 =	sshll.u32 s5, $0x1;
	s6 =	sadd.s32 s21, s4  }
0x9d: {  	[timem:s22], [sflag:s7] =	dma.local [hbm:s6], s5  }
0x9e: {  	_ =	swait.ge [sflag:s7], s5  }
0x9f: {  	s5 =	ssub.s32 $0x0, s5;
	[sflag:s7] =	ssyncset.done $0x0  }
0xa0: {  	[sflag:s7] =	ssyncadd.s32 s5;
	_ =	sdelay $0x1  }
0xa1: {  	s23 =	simm.s32 $0x1B8B  }
0xa2: {  	_ =	swait.ge [sflag:s23], $0x1  }
0xa3: {  	[sflag:s23] =	ssyncset.done $0x0  }
0xa4: {  	[sflag:s23] =	ssyncadd.s32 $0xFFFFFFFF  }
0xa5: {  	s5 =	sld [smem:$0x0]  }
0xa6: {  	s6 =	sand.u32 $0xFFFFFFFE, s1  }
0xa7: {  	p0 =	sne.s32 s1, s6  }
0xa8: {  	s6 =	sshll.u32 @p0 s6, $0xE  }
0xa9: {  	s6 =	sadd.s32 @p0 $0x11B8D, s6;
	s7 =	sshll.u32 @p0 s5, $0x11  }
0xaa: {  	s6 =	sor.u32 @p0 s7, s6  }
0xab: {  	[sflag:s6] =	ssyncadd.remote.s32 @p0 $0x1;
	_ =	sdelay $0x1  }
0xac: {  	s6 =	simm.s32 @p0 $0x1B8D  }
0xad: {  	_ =	swait.eq @p0 [sflag:s6], $0x1  }
0xae: {  	[sflag:s6] =	ssyncadd.s32 @p0 $0xFFFFFFFF  }
0xaf: {  	s7 =	sshll.u32 @!p0 s1, $0xE  }
0xb0: {  	s7 =	sor.u32 @!p0 $0x4000, s7;
	s6 =	simm.s32 @!p0 $0x1B8D  }
0xb1: {  	s5 =	sshll.u32 @!p0 s5, $0x11;
	s7 =	sadd.s32 @!p0 $0x11B8D, s7;
	_ =	swait.eq @!p0 [sflag:s6], $0x1  }
0xb2: {  	s5 =	sor.u32 @!p0 s5, s7;
	[sflag:s6] =	ssyncadd.s32 @!p0 $0xFFFFFFFF  }
0xb3: {  	s25 =	simm.s32 $0x1B8E;
	s24 =	sld [smem:$0x3FFE];
	[sflag:s5] =	ssyncadd.remote.s32 @!p0 $0x1  }
0xb4: {  	s26 =	simm.s32 $execute0_lowered;
	[smem:$0x3FD2] =	sst s25  }
0xb5: {  	s6 =	sshll.u32 s26, $0x1;
	_ =	strace $0x80000049;
	[dreg:$0x1] =	wrdreg $0xFFFFFFFF  }
0xb6: {  	s28 =	simm.s32 $_size_execute0_lowered;
	s4 =	sadd.s32 s4, s6;
	[dreg:$0x0] =	wrdreg $0x0  }
0xb7: {  	s6 =	sshll.u32 s28, $0x1;
	[dreg:$0x2] =	wrdreg s4  }
0xb8: {  	[dreg:$0x3] =	wrdreg s6  }
0xb9: {  	[dreg:$0x4] =	wrdreg $0xC0  }
0xba: {  	_ =	task [dreg:s22], $0x5FFFF  }
0xbb: {  	[dreg:$0x1] =	wrdreg $0xFFFFFFFF  }
0xbc: {  	[dreg:$0x0] =	wrdreg $0x60  }
0xbd: {  	[dreg:$0x2] =	wrdreg s24  }
0xbe: {  	[dreg:$0x3] =	wrdreg s18  }
0xbf: {  	[dreg:$0x4] =	wrdreg $0xA  }
0xc0: {  	_ =	task.clear_ibuf [dreg:s22], $0x5FFFF;
	_ =	strace $0x90000049  }
0xc1: {  	s29 =	simm.s32 $0xA;
	_ =	strace $0x8000004B  }
0xc2: {  	_ =	swait.ge [sflag:s29], $0x1  }
0xc3: {  	[sflag:s29] =	ssyncadd.s32 $0xFFFFFFFF  }
0xc4: {  	_ =	strace $0x9000004B  }
0xc5: {  	_ =	sfence  }
0xc6: {  	s30 =	sld [smem:$0x0];
	_ =	sdelay $0x2  }
0xc7: {  	s31 =	sshll.u32 s1, $0xD;
	s1 =	sshrl.u32 s1, $0x2  }
0xc8: {  	s4 =	sand.u32 $0x4000, s31;
	s1 =	sadd.s32 s1, s30  }
0xc9: {  	s0 =	sor.u32 s4, s0;
	s1 =	sshll.u32 s1, $0x11  }
0xca: {  	s0 =	sor.u32 s1, s0  }
0xcb: {  	s0 =	sadd.s32 $0x8F2B, s0  }
0xcc: {  	[sflag:s0] =	ssyncadd.remote.s32 $0x1  }
0xcd: {  	_ =	sfence.sel $0xFFFF  }
0xce: {  	[dreg:$0x0] =	wrdreg $0xFFFFFFFF;
	(pc) =	sbr.abs _section_cstart, $3  }
0xcf: {  	[dreg:$0x1] =	wrdreg $0xFFFFFFFF  }
0xd0: {  	_ =	task.clear_ibuf [dreg:s22], $0x2FFFF;
	_ =	strace $0x9FFFFFFF  }
0xd1: {  	(tm) =	ssettm $0x7FFFFFFF  }
tec
execute0_lowered:
.L_overlay_start_1:
0x0: {  	(tag) =	ssettag $0x1  }
0x1: {  	s1 =	srdreg.scid  }
0x2: {  	s9 =	rddreg [dreg:$0x0];
	s0 =	stileid.u32;
	s10 =	sand.u32 $0x1, s1  }
0x3: {  	s3 =	rddreg [dreg:$0x1];
	s4 =	sshll.u32 s0, $0xA;
	s5 =	sshll.u32 s10, $0x9  }
0x4: {  	s2 =	simm.s32 $0x0;
	s1 =	rddreg [dreg:$0x2];
	s11 =	sor.u32 s5, s4  }
0x5: {  	[smem:$0x7FF] =	sst s2;
	s4 =	sshrl.u32 s11, $0x3  }
0x6: {  	_ =	strace $0x8000004A;
	s4 =	sadd.s32 s3, s4;
	s3 =	simm.s32 $0x2  }
0x7: {  	[tilespmem:s2], [sflag:$0x2] =	stream.linear.gather [hbm4b:s4+s2], $0x200, $0x38;
	[tilespmem:$0x8200] =	vst v63  }
0x8: {  	_ =	swait.ge [sflag:s3], $0x200  }
0x9: {  	s6 =	simm.s32 $0x100;
	s7 =	simm.s32 $0x200;
	[sflag:s3] =	ssyncset.done $0x0  }
0xa: {  	s8 =	simm.s32 $0x1;
	s5 =	sadd.s32 $0x208A00, s9;
	[sflag:s3] =	ssyncadd.s32 $0xFFFFFE00  }
0xb: {  	[tilespmem:s7], [sflag:$0x1] =	stream.indirect.gather [hbm4b:s5+s6], $0x80, s2, s6, $0xb8;
	[tilespmem:$0x8200] =	vst v63  }
0xc: {  	s11 =	sshll.u32 s11, $0x4;
	_ =	swait.ge [sflag:s8], $0x8000  }
0xd: {  	s11 =	sadd.s32 s11, s9;
	[sflag:s8] =	ssyncset.done $0x0  }
0xe: {  	s10 =	ssub.s32 $0x2, s10;
	s9 =	sadd.s32 $0x38F400, s11;
	[sflag:s8] =	ssyncadd.s32 $0xFFFF8000  }
0xf: {  	[hbm4b:s9+s2] =	stream.linear.scatter [tilespmem:s7], [sflag:$0x2], $0x8000, $0x38;
	[tilespmem:$0x8200] =	vst v63  }
0x10: {  	s12 =	sshrl.u32 s10, $0x1;
	_ =	swait.ge [sflag:s3], $0x8000  }
0x11: {  	s10 =	ssub.s32 s10, s12;
	[sflag:s3] =	ssyncset.done $0x0  }
0x12: {  	s12 =	smax.u32 s10, $0x1;
	[sflag:s3] =	ssyncadd.s32 $0xFFFF8000  }
0x13: {  	[tilespmem:s7], [sflag:$0x1] =	stream.indirect.gather [hbm4b:s5+s6], $0x80, s6, s6, $0xb8;
	[tilespmem:$0x8200] =	vst v63  }
0x14: {  	p0 =	sne.s32 s12, $0x1;
	_ =	swait.ge [sflag:s8], $0x8000  }
.Ltmp0:
0x15: {  	[sflag:s8] =	ssyncset.done $0x0;
	(pc) =	sbr.rel @!p0 .LBB2_2-.Ltmp0, $4  }
0x16: {  	s10 =	sadd.s32 $0x390400, s11;
	[sflag:s8] =	ssyncadd.s32 $0xFFFF8000  }
0x17: {  	[hbm4b:s10+s2] =	stream.linear.scatter [tilespmem:s7], [sflag:$0x2], $0x8000, $0x38;
	[tilespmem:$0x8200] =	vst v63  }
0x18: {  	_ =	swait.ge [sflag:s3], $0x8000  }
0x19: {  	s11 =	sadd.s32 $0xFFFFFFFF, s12;
	[sflag:s3] =	ssyncset.done $0x0  }
.LBB2_1:
0x1a: {  	p0 =	sne.s32 s11, $0x1;
	s11 =	sadd.s32 $0xFFFFFFFF, s11;
	[sflag:s3] =	ssyncadd.s32 $0xFFFF8000  }
0x1b: {  	[tilespmem:s2], [sflag:$0x2] =	stream.linear.gather [hbm4b:s4+s2], $0x200, $0x38;
	[tilespmem:$0x8200] =	vst v63  }
0x1c: {  	_ =	swait.ge [sflag:s3], $0x200  }
0x1d: {  	[sflag:s3] =	ssyncset.done $0x0  }
0x1e: {  	[sflag:s3] =	ssyncadd.s32 $0xFFFFFE00  }
0x1f: {  	[tilespmem:s7], [sflag:$0x1] =	stream.indirect.gather [hbm4b:s5+s6], $0x80, s2, s6, $0xb8;
	[tilespmem:$0x8200] =	vst v63  }
0x20: {  	_ =	swait.ge [sflag:s8], $0x8000  }
0x21: {  	[sflag:s8] =	ssyncset.done $0x0  }
0x22: {  	[sflag:s8] =	ssyncadd.s32 $0xFFFF8000  }
0x23: {  	[hbm4b:s9+s2] =	stream.linear.scatter [tilespmem:s7], [sflag:$0x2], $0x8000, $0x38;
	[tilespmem:$0x8200] =	vst v63  }
0x24: {  	_ =	swait.ge [sflag:s3], $0x8000  }
0x25: {  	[sflag:s3] =	ssyncset.done $0x0  }
0x26: {  	[sflag:s3] =	ssyncadd.s32 $0xFFFF8000  }
0x27: {  	[tilespmem:s7], [sflag:$0x1] =	stream.indirect.gather [hbm4b:s5+s6], $0x80, s6, s6, $0xb8;
	[tilespmem:$0x8200] =	vst v63  }
0x28: {  	_ =	swait.ge [sflag:s8], $0x8000  }
.Ltmp1:
0x29: {  	[sflag:s8] =	ssyncset.done $0x0;
	(pc) =	sbr.rel @p0 .LBB2_1-.Ltmp1, $4  }
0x2a: {  	[sflag:s8] =	ssyncadd.s32 $0xFFFF8000  }
0x2b: {  	[hbm4b:s10+s2] =	stream.linear.scatter [tilespmem:s7], [sflag:$0x2], $0x8000, $0x38;
	[tilespmem:$0x8200] =	vst v63  }
0x2c: {  	_ =	swait.ge [sflag:s3], $0x8000  }
0x2d: {  	[sflag:s3] =	ssyncset.done $0x0  }
.LBB2_2:
0x2e: {  	[sflag:s3] =	ssyncadd.s32 $0xFFFF8000  }
0x2f: {  	_ =	sfence.sel $0x180000  }
0x30: {  	[bflag:$0x0] =	sbarrier.arrive $0xFFFF  }
0x31: {  	p0 =	sne.s32 s0, $0x0;
	_ =	strace $0x9000004A  }
0x32: {  	s0 =	sadd.s32 @!p0 $0x100000, s1;
	[bflag:$0x2] =	sbarrier.arrive $0xFFFF  }
0x33: {  	[sflag:s0] =	ssyncadd.tile.s32 @!p0 $0x1;
	_ =	shalt  }
.Lfunc_end2:
_tile_overlayer_lowered:
.L_overlay_start_2:
0x34: {  	(tag) =	ssettag $0x2  }
0x35: {  	s0 =	rddreg [dreg:$0x0];
	s2 =	stileid.u32  }
0x36: {  	s1 =	rddreg [dreg:$0x1];
	p0 =	sne.s32 s2, $0x0  }
0x37: {  	s3 =	rddreg [dreg:$0x2];
	[bflag:$0x3] =	sbarrier.arrive $0xFFFF;
	s2 =	simm.s32 @!p0 $0x1C02  }
0x38: {  	[timem:s3], [sflag:s2] =	dma.local @!p0 [hbm:s0], s1  }
0x39: {  	s0 =	simm.s32 @!p0 $0x2  }
0x3a: {  	_ =	swait.ge @!p0 [sflag:s0], s1  }
0x3b: {  	s1 =	ssub.s32 @!p0 $0x0, s1;
	[sflag:s0] =	ssyncset.done @!p0 $0x0  }
0x3c: {  	[sflag:s0] =	ssyncadd.s32 @!p0 s1  }
0x3d: {  	[bflag:$0x3] =	sbarrier.arrive $0xFFFF  }
0x3e: {  	_ =	shalt  }

// kernel: kernel.7.cloned.1.call-start
scs
__scs_entry_jumppad:
0x0: {  	(pc) =	sbr.rel $0x88, $3  }
0x1: {  	(tag) =	ssettag $0x0;
	lr =	simm.s32 $0x1  }
0x2: {  	[smem:$0x3F9C] =	sst lr;
	_ =	strace $0xD0000000  }
0x3: {  	_ = 	snop  }
0x4: {  	_ = 	snop  }
0x5: {  	_ = 	snop  }
0x6: {  	_ = 	snop  }
0x7: {  	_ = 	snop  }
__scs_overlays_trampoline_lowered:
0x8: {  	[smem:$0x3FAB] =	sst s0  }
0x9: {  	[smem:$0x3FAC] =	sst s1  }
0xa: {  	[smem:$0x3FAD] =	sst s2  }
0xb: {  	[smem:$0x3FAE] =	sst s3  }
0xc: {  	[smem:$0x3FAF] =	sst s4  }
0xd: {  	[smem:$0x3FB0] =	sst s5  }
0xe: {  	[smem:$0x3FB1] =	sst s6  }
0xf: {  	[smem:$0x3FB2] =	sst s7  }
0x10: {  	[smem:$0x3FB3] =	sst s8  }
0x11: {  	[smem:$0x3FB4] =	sst s9;
	s0 =	simm.s32 @!p0 $0x0  }
0x12: {  	s1 =	sld [smem:$0x3F9A];
	s0 =	simm.s32 @p0 $0x1  }
0x13: {  	[smem:$0x3FB5] =	sst s0;
	s0 =	simm.s32 @!p1 $0x0  }
0x14: {  	s2 =	sld [smem:$0x3F99];
	s0 =	simm.s32 @p1 $0x1  }
0x15: {  	[smem:$0x3FB6] =	sst s0;
	s0 =	simm.s32 @!p2 $0x0  }
0x16: {  	s3 =	sld [smem:$0x3FDB];
	s0 =	simm.s32 @p2 $0x1  }
0x17: {  	s4 =	simm.s32 $0x1BF5;
	[smem:$0x3FB8] =	sst s0  }
0x18: {  	s0 =	sld [smem:$0x3F9B];
	_ =	swait.ge [sflag:s4], $0x0  }
0x19: {  	s7 =	sld [smem:$0x3F9C]  }
0x1a: {  	s8 =	sadd.s32 $0xFFFFE003, lr  }
0x1b: {  	s9 =	sadd.s32 $0xFFFFFEF7, lr;
	s5 =	simm.s32 $0xFFFFFFFF;
	p2 =	slt.u32 s8, $0xFFFFF086  }
0x1c: {  	p1 =	slt.u32 s9, $0xF7A;
	s5 =	simm.s32 @!p2 $0x0  }
0x1d: {  	s5 =	simm.s32 @p1 $0x1;
	p0 =	seq.s32 s7, s2  }
0x1e: {  	s7 =	smul.u32 @!p0 $0xF7A, s2;
	p2 =	seq.s32 @!p0 s5, $0x0  }
0x1f: {  	s9 =	smul.u32 $0xF7A, s1;
	s8 =	simm.s32 @!p0 $0x1BF5;
	p2 =	por !p2, p0  }
0x20: {  	[sflag:s8] =	ssyncset.s32 @!p0 $0xFFFFF086;
	s6 =	sadd.s32 @!p0 s3, s7;
	s7 =	simm.s32 @!p0 $0x108  }
0x21: {  	s3 =	sadd.s32 s3, s9;
	s6 =	sadd.s32 @!p0 $0x88, s6;
	s7 =	simm.s32 @p2 $0x1082  }
0x22: {  	[simem:s7], [sflag:s8] =	dma.local @!p0 [hbm:s6], $0xF7A  }
0x23: {  	s9 =	sor.u32 $0xD0000000, s2;
	s6 =	simm.s32 $0x108;
	_ =	swait.ge @!p0 [sflag:s8], $0x0  }
0x24: {  	s3 =	sadd.s32 $0x88, s3;
	s6 =	simm.s32 @!p1 $0x1082;
	[sflag:s4] =	ssyncset.s32 $0xFFFFF086  }
0x25: {  	[simem:s6], [sflag:s4] =	dma.local [hbm:s3], $0xF7A  }
0x26: {  	[smem:$0x3F9C] =	sst s1;
	(tag) =	ssettag s2;
	_ =	strace s9  }
0x27: {  	s1 =	sld [smem:$0x3FAC]  }
0x28: {  	s2 =	sld [smem:$0x3FAD]  }
0x29: {  	s4 =	sld [smem:$0x3FAF]  }
0x2a: {  	p0 =	seq.s32 s5, $0x0;
	s5 =	sld [smem:$0x3FB0]  }
0x2b: {  	s6 =	sld [smem:$0x3FB1]  }
0x2c: {  	s7 =	sld [smem:$0x3FB2]  }
0x2d: {  	s3 =	simm.s32 $0x108;
	s8 =	sld [smem:$0x3FB3]  }
0x2e: {  	s3 =	simm.s32 @!p0 $0x1082;
	s9 =	sld [smem:$0x3FB4]  }
0x2f: {  	lr =	sadd.s32 s0, s3;
	s0 =	sld [smem:$0x3FAB]  }
0x30: {  	s3 =	sld [smem:$0x3FAE]  }
0x31: {  	[smem:$0x3FB7] =	sst s10  }
0x32: {  	s10 =	sld [smem:$0x3FB5];
	_ =	sdelay $0x3  }
0x33: {  	p0 =	seq.s32 s10, $0x1;
	s10 =	sld [smem:$0x3FB7];
	_ =	sdelay $0x3  }
0x34: {  	[smem:$0x3FB7] =	sst s10  }
0x35: {  	s10 =	sld [smem:$0x3FB6];
	_ =	sdelay $0x3  }
0x36: {  	p1 =	seq.s32 s10, $0x1;
	s10 =	sld [smem:$0x3FB7];
	_ =	sdelay $0x3  }
0x37: {  	[smem:$0x3FB7] =	sst s10  }
0x38: {  	s10 =	sld [smem:$0x3FB8]  }
0x39: {  	_ = 	snop;
	(pc) =	sbr.ind lr, $3  }
0x3a: {  	_ = 	snop  }
0x3b: {  	_ = 	snop  }
0x3c: {  	p2 =	seq.s32 s10, $0x1;
	s10 =	sld [smem:$0x3FB7]  }
0x3d: {  	_ =	shalt  }
0x3e: {  	_ =	shalt  }
0x3f: {  	_ =	shalt  }
0x40: {  	_ =	shalt  }
0x41: {  	_ =	shalt  }
0x42: {  	_ =	shalt  }
0x43: {  	_ =	shalt  }
0x44: {  	_ =	shalt  }
0x45: {  	_ =	shalt  }
0x46: {  	_ =	shalt  }
0x47: {  	_ =	shalt  }
0x48: {  	_ =	shalt  }
0x49: {  	_ =	shalt  }
0x4a: {  	_ =	shalt  }
0x4b: {  	_ =	shalt  }
0x4c: {  	_ =	shalt  }
0x4d: {  	_ =	shalt  }
0x4e: {  	_ =	shalt  }
0x4f: {  	_ =	shalt  }
0x50: {  	_ =	shalt  }
0x51: {  	_ =	shalt  }
0x52: {  	_ =	shalt  }
0x53: {  	_ =	shalt  }
0x54: {  	_ =	shalt  }
0x55: {  	_ =	shalt  }
0x56: {  	_ =	shalt  }
0x57: {  	_ =	shalt  }
0x58: {  	_ =	shalt  }
0x59: {  	_ =	shalt  }
0x5a: {  	_ =	shalt  }
0x5b: {  	_ =	shalt  }
0x5c: {  	_ =	shalt  }
0x5d: {  	_ =	shalt  }
0x5e: {  	_ =	shalt  }
0x5f: {  	_ =	shalt  }
0x60: {  	_ =	shalt  }
0x61: {  	_ =	shalt  }
0x62: {  	_ =	shalt  }
0x63: {  	_ =	shalt  }
0x64: {  	_ =	shalt  }
0x65: {  	_ =	shalt  }
0x66: {  	_ =	shalt  }
0x67: {  	_ =	shalt  }
0x68: {  	_ =	shalt  }
0x69: {  	_ =	shalt  }
0x6a: {  	_ =	shalt  }
0x6b: {  	_ =	shalt  }
0x6c: {  	_ =	shalt  }
0x6d: {  	_ =	shalt  }
0x6e: {  	_ =	shalt  }
0x6f: {  	_ =	shalt  }
0x70: {  	_ =	shalt  }
0x71: {  	_ =	shalt  }
0x72: {  	_ =	shalt  }
0x73: {  	_ =	shalt  }
0x74: {  	_ =	shalt  }
0x75: {  	_ =	shalt  }
0x76: {  	_ =	shalt  }
0x77: {  	_ =	shalt  }
0x78: {  	_ =	shalt  }
0x79: {  	_ =	shalt  }
0x7a: {  	_ =	shalt  }
0x7b: {  	_ =	shalt  }
0x7c: {  	_ =	shalt  }
0x7d: {  	_ =	shalt  }
0x7e: {  	_ =	shalt  }
0x7f: {  	_ =	shalt  }
0x80: {  	_ =	shalt  }
0x81: {  	_ =	shalt  }
0x82: {  	_ =	shalt  }
0x83: {  	_ =	shalt  }
0x84: {  	_ =	shalt  }
0x85: {  	_ =	shalt  }
0x86: {  	_ =	shalt  }
0x87: {  	_ =	shalt  }
.Lfunc_end0:
.L_simem_size_0:
called_computation_lowered:
.L_overlay_start_0:
0x88: {  	s2 =	sld [smem:$0x3FD9]  }
0x89: {  	s3 =	sld [smem:$0x3FFE];
	_ =	sdelay $0x1  }
0x8a: {  	s1 =	srdreg.scid  }
0x8b: {  	s0 =	sand.u32 $0x1, s1  }
0x8c: {  	s16 =	sshll.u32 s0, $0xA;
	s2 =	sadd.s32 s3, s2  }
0x8d: {  	s2 =	sadd.s32 s2, s16  }
0x8e: {  	[smem:$0x3FC3] =	sst s2  }
0x8f: {  	_ = 	snop  }
0x90: {  	(tm) =	ssettm $0x1  }
0x91: {  	s17 =	sld [smem:$0x3FFB];
	_ =	sdelay $0x3  }
0x92: {  	_ =	strace s17  }
0x93: {  	s2 =	sld [smem:$0x3FFC];
	_ =	sdelay $0x3  }
0x94: {  	_ =	strace s2  }
0x95: {  	s2 =	sld [smem:$0x3FFD];
	_ =	sdelay $0x3  }
0x96: {  	_ =	strace s2  }
0x97: {  	_ =	strace $0x8FFFFFFF  }
0x98: {  	s18 =	sld [smem:$0x3FDB];
	_ =	sdelay $0x1  }
0x99: {  	s19 =	simm.s32 $_scs_section_size  }
0x9a: {  	s4 =	simm.s32 $_size__tile_overlayer_lowered;
	s5 =	simm.s32 $_tile_overlayer_lowered  }
0x9b: {  	s22 =	simm.s32 $0x1BFF;
	s21 =	sshll.u32 s5, $0x1;
	s2 =	sadd.s32 s19, s18  }
0x9c: {  	s6 =	simm.s32 $0x0;
	s20 =	sshll.u32 s4, $0x1;
	s4 =	sadd.s32 s21, s2  }
0x9d: {  	[timem:s6], [sflag:s22] =	dma.local [hbm:s4], s20  }
0x9e: {  	_ =	swait.ge [sflag:s22], s20  }
0x9f: {  	s3 =	ssub.s32 $0x0, s20;
	[sflag:s22] =	ssyncset.done $0x0  }
0xa0: {  	[sflag:s22] =	ssyncadd.s32 s3;
	_ =	sdelay $0x1  }
0xa1: {  	s23 =	simm.s32 $0x1B8B  }
0xa2: {  	_ =	swait.ge [sflag:s23], $0x1  }
0xa3: {  	[sflag:s23] =	ssyncset.done $0x0  }
0xa4: {  	s25 =	simm.s32 $0x1B8E;
	s24 =	sld [smem:$0x3FFE];
	[sflag:s23] =	ssyncadd.s32 $0xFFFFFFFF  }
0xa5: {  	s26 =	simm.s32 $execute0_lowered;
	[smem:$0x3FD2] =	sst s25  }
0xa6: {  	s4 =	sshll.u32 s26, $0x1;
	_ =	strace $0x80000046;
	[dreg:$0x1] =	wrdreg $0xFFFFFFFF  }
0xa7: {  	s28 =	simm.s32 $_size_execute0_lowered;
	s2 =	sadd.s32 s2, s4;
	[dreg:$0x0] =	wrdreg $0x0  }
0xa8: {  	s4 =	sshll.u32 s28, $0x1;
	[dreg:$0x2] =	wrdreg s2  }
0xa9: {  	[dreg:$0x3] =	wrdreg s4  }
0xaa: {  	[dreg:$0x4] =	wrdreg $0xC0  }
0xab: {  	_ =	task [dreg:s6], $0x5FFFF  }
0xac: {  	[dreg:$0x1] =	wrdreg $0xFFFFFFFF  }
0xad: {  	[dreg:$0x0] =	wrdreg $0x60  }
0xae: {  	[dreg:$0x2] =	wrdreg s24  }
0xaf: {  	[dreg:$0x3] =	wrdreg $0x9  }
0xb0: {  	_ =	task.clear_ibuf [dreg:s6], $0x4FFFF;
	_ =	strace $0x90000046  }
0xb1: {  	s29 =	simm.s32 $0x9;
	_ =	strace $0x80000048  }
0xb2: {  	_ =	swait.ge [sflag:s29], $0x1  }
0xb3: {  	[sflag:s29] =	ssyncadd.s32 $0xFFFFFFFF  }
0xb4: {  	_ =	strace $0x90000048  }
0xb5: {  	_ =	sfence  }
0xb6: {  	s30 =	sld [smem:$0x0];
	_ =	sdelay $0x2  }
0xb7: {  	s31 =	sshll.u32 s1, $0xD;
	s1 =	sshrl.u32 s1, $0x2  }
0xb8: {  	s3 =	sand.u32 $0x4000, s31;
	s1 =	sadd.s32 s1, s30  }
0xb9: {  	s0 =	sor.u32 s3, s0;
	s1 =	sshll.u32 s1, $0x11  }
0xba: {  	s0 =	sor.u32 s1, s0  }
0xbb: {  	s0 =	sadd.s32 $0x8F2B, s0  }
0xbc: {  	[sflag:s0] =	ssyncadd.remote.s32 $0x1  }
0xbd: {  	_ =	sfence.sel $0xFFFF  }
0xbe: {  	[dreg:$0x0] =	wrdreg $0xFFFFFFFF;
	(pc) =	sbr.abs _section_cstart, $3  }
0xbf: {  	[dreg:$0x1] =	wrdreg $0xFFFFFFFF  }
0xc0: {  	_ =	task.clear_ibuf [dreg:s6], $0x2FFFF;
	_ =	strace $0x9FFFFFFF  }
0xc1: {  	(tm) =	ssettm $0x7FFFFFFF  }
tec
execute0_lowered:
.L_overlay_start_1:
0x0: {  	(tag) =	ssettag $0x1  }
0x1: {  	s1 =	srdreg.scid  }
0x2: {  	s0 =	stileid.u32;
	s15 =	sand.u32 $0x1, s1  }
0x3: {  	s29 =	sshll.u32 s0, $0xA;
	s2 =	sshll.u32 s15, $0x9  }
0x4: {  	s13 =	rddreg [dreg:$0x0];
	s12 =	sor.u32 s2, s29  }
0x5: {  	s1 =	rddreg [dreg:$0x1];
	s2 =	simm.s32 $0x0;
	s3 =	sshrl.u32 s12, $0x3  }
0x6: {  	[smem:$0x7FF] =	sst s2;
	s5 =	sadd.s32 s3, s13  }
0x7: {  	_ =	strace $0x80000047;
	s3 =	simm.s32 $0x2;
	s4 =	sadd.s32 $0x1800, s5  }
0x8: {  	[tilespmem:s2], [sflag:$0x2] =	stream.linear.gather [hbm4b:s4+s2], $0x200, $0x38;
	[tilespmem:$0x10400] =	vst v63  }
0x9: {  	_ =	swait.ge [sflag:s3], $0x200  }
0xa: {  	[sflag:s3] =	ssyncset.done $0x0  }
0xb: {  	s6 =	simm.s32 $0x200;
	s5 =	sadd.s32 $0x1000, s5;
	[sflag:s3] =	ssyncadd.s32 $0xFFFFFE00  }
0xc: {  	[tilespmem:s6], [sflag:$0x2] =	stream.linear.gather [hbm4b:s5+s2], $0x200, $0x38;
	[tilespmem:$0x10400] =	vst v63  }
0xd: {  	_ =	swait.ge [sflag:s3], $0x200  }
0xe: {  	s8 =	simm.s32 $0x100;
	[sflag:s3] =	ssyncset.done $0x0  }
0xf: {  	s9 =	simm.s32 $0x400;
	s7 =	sadd.s32 $0x2000, s13;
	[sflag:s3] =	ssyncadd.s32 $0xFFFFFE00  }
0x10: {  	[tilespmem:s9], [sflag:$0x1] =	stream.indirect.gather [hbm4b:s7+s8], $0x80, s2, s8, $0xb8;
	[tilespmem:$0x10400] =	vst v63  }
0x11: {  	s10 =	simm.s32 $0x8400;
	s11 =	simm.s32 $0x1  }
0x12: {  	[tilespmem:s10], [sflag:$0x1] =	stream.indirect.gather [hbm4b:s7+s8], $0x80, s6, s8, $0xb8;
	[tilespmem:$0x10400] =	vst v63  }
0x13: {  	_ =	swait.ge [sflag:s11], $0x8000  }
0x14: {  	[sflag:s11] =	ssyncset.done $0x0  }
0x15: {  	[sflag:s11] =	ssyncadd.s32 $0xFFFF8000  }
0x16: {  	_ =	swait.ge [sflag:s11], $0x8000  }
0x17: {  	s16 =	sadd.s32 $0x188A00, s13;
	s17 =	sshll.u32 s12, $0x4;
	[sflag:s11] =	ssyncset.done $0x0  }
0x18: {  	s12 =	sadd.s32 s16, s17;
	[sflag:s11] =	ssyncadd.s32 $0xFFFF8000  }
0x19: {  	[hbm4b:s12+s2] =	stream.linear.scatter [tilespmem:s9], [sflag:$0x2], $0x8000, $0x38;
	[tilespmem:$0x10400] =	vst v63  }
0x1a: {  	_ =	swait.ge [sflag:s3], $0x8000  }
0x1b: {  	s18 =	sadd.s32 $0x1C8A00, s13;
	[sflag:s3] =	ssyncset.done $0x0  }
0x1c: {  	s13 =	sadd.s32 s18, s17;
	[sflag:s3] =	ssyncadd.s32 $0xFFFF8000  }
0x1d: {  	[hbm4b:s13+s2] =	stream.linear.scatter [tilespmem:s10], [sflag:$0x2], $0x8000, $0x38;
	[tilespmem:$0x10400] =	vst v63  }
0x1e: {  	_ =	swait.ge [sflag:s3], $0x8000  }
0x1f: {  	[sflag:s3] =	ssyncset.done $0x0  }
0x20: {  	[sflag:s3] =	ssyncadd.s32 $0xFFFF8000  }
0x21: {  	[tilespmem:s9], [sflag:$0x1] =	stream.indirect.gather [hbm4b:s7+s8], $0x80, s8, s8, $0xb8;
	[tilespmem:$0x10400] =	vst v63  }
0x22: {  	s14 =	simm.s32 $0x300  }
0x23: {  	[tilespmem:s10], [sflag:$0x1] =	stream.indirect.gather [hbm4b:s7+s8], $0x80, s14, s8, $0xb8;
	[tilespmem:$0x10400] =	vst v63  }
0x24: {  	_ =	swait.ge [sflag:s11], $0x8000  }
0x25: {  	[sflag:s11] =	ssyncset.done $0x0  }
0x26: {  	s19 =	ssub.s32 $0x2, s15;
	[sflag:s11] =	ssyncadd.s32 $0xFFFF8000  }
0x27: {  	s30 =	sshrl.u32 s19, $0x1;
	_ =	swait.ge [sflag:s11], $0x8000  }
0x28: {  	s19 =	ssub.s32 s19, s30;
	s17 =	sor.u32 $0x1000, s17;
	[sflag:s11] =	ssyncset.done $0x0  }
0x29: {  	s31 =	smax.u32 s19, $0x1;
	s15 =	sadd.s32 s16, s17;
	[sflag:s11] =	ssyncadd.s32 $0xFFFF8000  }
0x2a: {  	[hbm4b:s15+s2] =	stream.linear.scatter [tilespmem:s9], [sflag:$0x2], $0x8000, $0x38;
	[tilespmem:$0x10400] =	vst v63  }
0x2b: {  	p0 =	sne.s32 s31, $0x1;
	_ =	swait.ge [sflag:s3], $0x8000  }
.Ltmp0:
0x2c: {  	[sflag:s3] =	ssyncset.done $0x0;
	(pc) =	sbr.rel @!p0 .LBB2_2-.Ltmp0, $4  }
0x2d: {  	s16 =	sadd.s32 s18, s17;
	[sflag:s3] =	ssyncadd.s32 $0xFFFF8000  }
0x2e: {  	[hbm4b:s16+s2] =	stream.linear.scatter [tilespmem:s10], [sflag:$0x2], $0x8000, $0x38;
	[tilespmem:$0x10400] =	vst v63  }
0x2f: {  	_ =	swait.ge [sflag:s3], $0x8000  }
0x30: {  	s17 =	sadd.s32 $0xFFFFFFFF, s31;
	[sflag:s3] =	ssyncset.done $0x0  }
.LBB2_1:
0x31: {  	p0 =	sne.s32 s17, $0x1;
	s17 =	sadd.s32 $0xFFFFFFFF, s17;
	[sflag:s3] =	ssyncadd.s32 $0xFFFF8000  }
0x32: {  	[tilespmem:s2], [sflag:$0x2] =	stream.linear.gather [hbm4b:s4+s2], $0x200, $0x38;
	[tilespmem:$0x10400] =	vst v63  }
0x33: {  	_ =	swait.ge [sflag:s3], $0x200  }
0x34: {  	[sflag:s3] =	ssyncset.done $0x0  }
0x35: {  	[sflag:s3] =	ssyncadd.s32 $0xFFFFFE00  }
0x36: {  	[tilespmem:s6], [sflag:$0x2] =	stream.linear.gather [hbm4b:s5+s2], $0x200, $0x38;
	[tilespmem:$0x10400] =	vst v63  }
0x37: {  	_ =	swait.ge [sflag:s3], $0x200  }
0x38: {  	[sflag:s3] =	ssyncset.done $0x0  }
0x39: {  	[sflag:s3] =	ssyncadd.s32 $0xFFFFFE00  }
0x3a: {  	[tilespmem:s9], [sflag:$0x1] =	stream.indirect.gather [hbm4b:s7+s8], $0x80, s2, s8, $0xb8;
	[tilespmem:$0x10400] =	vst v63  }
0x3b: {  	_ = 	snop  }
0x3c: {  	[tilespmem:s10], [sflag:$0x1] =	stream.indirect.gather [hbm4b:s7+s8], $0x80, s6, s8, $0xb8;
	[tilespmem:$0x10400] =	vst v63  }
0x3d: {  	_ =	swait.ge [sflag:s11], $0x8000  }
0x3e: {  	[sflag:s11] =	ssyncset.done $0x0  }
0x3f: {  	[sflag:s11] =	ssyncadd.s32 $0xFFFF8000  }
0x40: {  	_ =	swait.ge [sflag:s11], $0x8000  }
0x41: {  	[sflag:s11] =	ssyncset.done $0x0  }
0x42: {  	[sflag:s11] =	ssyncadd.s32 $0xFFFF8000  }
0x43: {  	[hbm4b:s12+s2] =	stream.linear.scatter [tilespmem:s9], [sflag:$0x2], $0x8000, $0x38;
	[tilespmem:$0x10400] =	vst v63  }
0x44: {  	_ =	swait.ge [sflag:s3], $0x8000  }
0x45: {  	[sflag:s3] =	ssyncset.done $0x0  }
0x46: {  	[sflag:s3] =	ssyncadd.s32 $0xFFFF8000  }
0x47: {  	[hbm4b:s13+s2] =	stream.linear.scatter [tilespmem:s10], [sflag:$0x2], $0x8000, $0x38;
	[tilespmem:$0x10400] =	vst v63  }
0x48: {  	_ =	swait.ge [sflag:s3], $0x8000  }
0x49: {  	[sflag:s3] =	ssyncset.done $0x0  }
0x4a: {  	[sflag:s3] =	ssyncadd.s32 $0xFFFF8000  }
0x4b: {  	[tilespmem:s9], [sflag:$0x1] =	stream.indirect.gather [hbm4b:s7+s8], $0x80, s8, s8, $0xb8;
	[tilespmem:$0x10400] =	vst v63  }
0x4c: {  	_ = 	snop  }
0x4d: {  	[tilespmem:s10], [sflag:$0x1] =	stream.indirect.gather [hbm4b:s7+s8], $0x80, s14, s8, $0xb8;
	[tilespmem:$0x10400] =	vst v63  }
0x4e: {  	_ =	swait.ge [sflag:s11], $0x8000  }
0x4f: {  	[sflag:s11] =	ssyncset.done $0x0  }
0x50: {  	[sflag:s11] =	ssyncadd.s32 $0xFFFF8000  }
0x51: {  	_ =	swait.ge [sflag:s11], $0x8000  }
0x52: {  	[sflag:s11] =	ssyncset.done $0x0  }
0x53: {  	[sflag:s11] =	ssyncadd.s32 $0xFFFF8000  }
0x54: {  	[hbm4b:s15+s2] =	stream.linear.scatter [tilespmem:s9], [sflag:$0x2], $0x8000, $0x38;
	[tilespmem:$0x10400] =	vst v63  }
0x55: {  	_ =	swait.ge [sflag:s3], $0x8000  }
.Ltmp1:
0x56: {  	[sflag:s3] =	ssyncset.done $0x0;
	(pc) =	sbr.rel @p0 .LBB2_1-.Ltmp1, $4  }
0x57: {  	[sflag:s3] =	ssyncadd.s32 $0xFFFF8000  }
0x58: {  	[hbm4b:s16+s2] =	stream.linear.scatter [tilespmem:s10], [sflag:$0x2], $0x8000, $0x38;
	[tilespmem:$0x10400] =	vst v63  }
0x59: {  	_ =	swait.ge [sflag:s3], $0x8000  }
0x5a: {  	[sflag:s3] =	ssyncset.done $0x0  }
.LBB2_2:
0x5b: {  	[sflag:s3] =	ssyncadd.s32 $0xFFFF8000  }
0x5c: {  	_ =	sfence.sel $0x180000  }
0x5d: {  	[bflag:$0x0] =	sbarrier.arrive $0xFFFF  }
0x5e: {  	p0 =	sne.s32 s0, $0x0;
	_ =	strace $0x90000047  }
0x5f: {  	s0 =	sadd.s32 @!p0 $0x100000, s1;
	[bflag:$0x2] =	sbarrier.arrive $0xFFFF  }
0x60: {  	[sflag:s0] =	ssyncadd.tile.s32 @!p0 $0x1;
	_ =	shalt  }
.Lfunc_end2:
_tile_overlayer_lowered:
.L_overlay_start_2:
0x61: {  	(tag) =	ssettag $0x2  }
0x62: {  	s0 =	rddreg [dreg:$0x0];
	s2 =	stileid.u32  }
0x63: {  	s1 =	rddreg [dreg:$0x1];
	p0 =	sne.s32 s2, $0x0  }
0x64: {  	s3 =	rddreg [dreg:$0x2];
	[bflag:$0x3] =	sbarrier.arrive $0xFFFF;
	s2 =	simm.s32 @!p0 $0x1C02  }
0x65: {  	[timem:s3], [sflag:s2] =	dma.local @!p0 [hbm:s0], s1  }
0x66: {  	s0 =	simm.s32 @!p0 $0x2  }
0x67: {  	_ =	swait.ge @!p0 [sflag:s0], s1  }
0x68: {  	s1 =	ssub.s32 @!p0 $0x0, s1;
	[sflag:s0] =	ssyncset.done @!p0 $0x0  }
0x69: {  	[sflag:s0] =	ssyncadd.s32 @!p0 s1  }
0x6a: {  	[bflag:$0x3] =	sbarrier.arrive $0xFFFF  }
0x6b: {  	_ =	shalt  }

</sc_bundles>
